<compile_context>
chip_gen: v7x
topology: tpu7x:2x2x1
jax: 0.10.2.dev20260603
libtpu: 0.0.44.dev20260713+nightly
codegen_flags: <defaults>
</compile_context>

<pallas_src>
import functools

import jax
import jax.numpy as jnp
from jax import lax
from jax.experimental import pallas as pl
from jax.experimental.pallas import tpu as pltpu
from jax.experimental.pallas import tpu_sc as plsc

_L = 2
_BS = 8
_NPT = 16384
_PTS = _BS * _NPT
_W = 512
_CORNER = 16

_NC = 2
_NS = 16
_LANES = 16
_NW = _NC * _NS
_NCOL = _NPT // _NW
_GRP = _NCOL // _LANES

_SC_MESH = plsc.VectorSubcoreMesh(
    core_axis_name="c", subcore_axis_name="s", num_cores=_NC, num_subcores=_NS
)


@functools.partial(
    pl.kernel,
    out_type=jax.ShapeDtypeStruct((_L * _PTS,), jnp.float32),
    mesh=_SC_MESH,
    compiler_params=pltpu.CompilerParams(needs_layout_passes=False),
    scratch_types=[
        pltpu.VMEM((_BS, _CORNER, 128), jnp.float32),
        pltpu.VMEM((_L, 3, _BS, _NCOL), jnp.int32),
        pltpu.VMEM((_L * _BS * _NCOL,), jnp.float32),
        pltpu.SemaphoreType.DMA,
    ],
)
def _sc_gather(coords_hbm, gt_hbm, t_hbm, tbl_v, cv, tv, sem):
    wid = lax.axis_index("s") * _NC + lax.axis_index("c")
    n0 = wid * _NCOL

    copies = [pltpu.async_copy(
        gt_hbm.at[pl.ds(0, _BS), pl.ds(0, _CORNER), pl.ds(0, 128)], tbl_v, sem)]
    for lvl in range(_L):
        copies.append(pltpu.async_copy(
            coords_hbm.at[lvl, pl.ds(0, 3), pl.ds(0, _BS), pl.ds(n0, _NCOL)],
            cv.at[lvl], sem))
    for c in copies:
        c.wait()

    for lvl in range(_L):
        scale = 1 << lvl

        def step(g, carry, lvl=lvl, scale=scale):
            b = g >> 5
            sl = pl.ds((g & 31) * _LANES, _LANES)
            cb = cv[lvl, 0, b, sl]
            cy = cv[lvl, 1, b, sl]
            cx = cv[lvl, 2, b, sl]
            tv[pl.ds(lvl * _BS * _NCOL + g * _LANES, _LANES)] = plsc.load_gather(
                tbl_v, [cb, cy * scale, cx * scale])
            return carry

        lax.fori_loop(0, _BS * _GRP, step, 0)

    pltpu.sync_copy(tv, t_hbm.at[pl.ds(wid * _L * _BS * _NCOL, _L * _BS * _NCOL)])


def _tc_loss_body(p_ref, t_ref, s_ref):
    w = pl.program_id(0)
    p = p_ref[:, :, 0, 0, :]
    t = t_ref[0, :, :, 0, :]
    logp = jnp.maximum(jnp.log(p), -100.0)
    log1p = jnp.maximum(jnp.log(1.0 - p), -100.0)
    part = jnp.sum(log1p + t * (logp - log1p))

    @pl.when(w == 0)
    def _():
        s_ref[...] = jnp.zeros_like(s_ref)

    s_ref[...] += part[None, None]


def kernel(pred_points, pred_coordinate, gt_mask):
    coords_planar = jnp.transpose(pred_coordinate, (0, 3, 1, 2))
    gt3 = gt_mask.reshape(_BS, _W, _W)
    t_flat = _sc_gather(coords_planar, gt3)

    p5 = pred_points.reshape(_L, _BS, _NW, 1, _NCOL)
    t5 = t_flat.reshape(_NW, _L, _BS, 1, _NCOL)
    s = pl.pallas_call(
        _tc_loss_body,
        grid=(_NW,),
        in_specs=[
            pl.BlockSpec((_L, _BS, 1, 1, _NCOL), lambda w: (0, 0, w, 0, 0)),
            pl.BlockSpec((1, _L, _BS, 1, _NCOL), lambda w: (w, 0, 0, 0, 0)),
        ],
        out_specs=pl.BlockSpec((1, 1), lambda w: (0, 0)),
        out_shape=jax.ShapeDtypeStruct((1, 1), jnp.float32),
    )(p5, t5)

    return -s[0, 0] / jnp.float32(_PTS)

# --- scband reference (transcript-rebuilt; emitter-appended) ---
"""Pipeline reference for scband-point-classify-loss-32220844655145 (READ-ONLY COPY).

The authoritative reference and input builder live on the scoring server;
editing this copy changes nothing except your own understanding.
"""

import jax, jax.numpy as jnp
import numpy as np


def _bce(p, t):
    # matches torch nn.BCELoss (mean reduction, log clamped at -100)
    logp = jnp.maximum(jnp.log(p), -100.0)
    log1p = jnp.maximum(jnp.log(1.0 - p), -100.0)
    return jnp.mean(-(t * logp + (1.0 - t) * log1p))


def setup_inputs(seed: int = 0):
    key = jax.random.key(seed)
    k1, k2, k3 = jax.random.split(key, 3)
    pred_points = jax.random.uniform(k1, (2, 8, 1, 16384), dtype=jnp.float32)
    pred_coordinate = jax.random.randint(k2, (2, 8, 16384, 3), 0, 8, dtype=jnp.int32)
    gt_mask = jax.random.uniform(k3, (8, 1, 512, 512), dtype=jnp.float32)
    return {"pred_points": pred_points, "pred_coordinate": pred_coordinate, "gt_mask": gt_mask}


def reference(pred_points, pred_coordinate, gt_mask):
    bs, c, h, w = gt_mask.shape
    width = w
    max_index = bs * h * w
    # permute(1,0,2,3).view(c, -1)
    flat = jnp.transpose(gt_mask, (1, 0, 2, 3)).reshape(c, -1)
    L = pred_points.shape[0]
    loss = jnp.float32(0.0)
    for i in range(L):
        points_seg = pred_points[i]                      # [N, c, n]
        coords = pred_coordinate[i].astype(jnp.int32)    # [N, n, 3]
        scale = jnp.array([1, 2 ** i, 2 ** i], dtype=jnp.int32)
        coords = coords * scale                          # coords[:, :, 1:] *= 2**i
        index = coords[..., 0] * width * width + coords[..., 1] * width + coords[..., 2]
        index = jnp.where(index > max_index, 0, index)   # zero-out invalid indices
        sampled = jnp.take(flat, index, axis=0 + 1) if False else jnp.take(flat, index, axis=1)  # [c, N, n]
        gathered_gt = jnp.transpose(sampled, (1, 0, 2)).astype(jnp.float32)  # [N, c, n]
        loss = loss + _bce(points_seg, gathered_gt)
    return loss

if __name__ == "__main__":
    import jax
    _d = setup_inputs()
    print(jax.jit(kernel)(*tuple(_d.values())))

</pallas_src>

<mosaic_0001>
#map = affine_map<(d0, d1) -> (0, 0, 0, 0)>
#map1 = affine_map<(d0, d1) -> (0, 0, 0)>
#map2 = affine_map<(d0, d1) -> (0)>
module attributes {stable_mosaic.version = 14 : i64} {
  func.func @_sc_gather(%arg0: i32, %arg1: i32, %arg2: memref<2x3x8x16384xi32, #tpu.memory_space<hbm>>, %arg3: memref<8x512x512xf32, #tpu.memory_space<hbm>>, %arg4: memref<262144xf32, #tpu.memory_space<hbm>>, %arg5: memref<8x16x128xf32, #tpu.memory_space<vmem>>, %arg6: memref<2x3x8x512xi32, #tpu.memory_space<vmem>>, %arg7: memref<8192xf32, #tpu.memory_space<vmem>>, %arg8: memref<!tpu.dma_semaphore, #tpu.memory_space<semaphore_mem>>) attributes {dimension_semantics = [#tpu.dimension_semantics<core_parallel>, #tpu.dimension_semantics<subcore_parallel>], iteration_bounds = array<i64: 2, 16>, scalar_prefetch = 0 : i64, scratch_operands = 4 : i64, tpu.core_type = #tpu.core_type<sc_vector_subcore>, window_params = [{transform_indices = #map}, {transform_indices = #map1}, {transform_indices = #map2}]} {
    %mul3A = arith.constant 2 : i32
    %mul3A_0 = arith.muli %arg1, %mul3A : i32
    %add3A = arith.addi %mul3A_0, %arg0 : i32
    %mul3A_1 = arith.constant 512 : i32
    %mul3A_2 = arith.muli %add3A, %mul3A_1 : i32
    %dma_start3A = arith.constant 0 : i32
    %dma_start3A_3 = arith.constant 0 : i32
    %dma_start3A_4 = arith.constant 0 : i32
    %dma_start3A_5 = tpu.memref_slice %arg3[%dma_start3A, %dma_start3A_3, %dma_start3A_4] : memref<8x512x512xf32, #tpu.memory_space<hbm>> -> memref<8x16x128xf32, #tpu.memory_space<hbm>>
    %dma_start3A_6 = arith.constant 0 : i32
    %dma_start3A_7 = arith.constant 0 : i32
    %dma_start3A_8 = arith.constant 0 : i32
    %dma_start3A_9 = tpu.memref_slice %arg3[%dma_start3A_6, %dma_start3A_7, %dma_start3A_8] : memref<8x512x512xf32, #tpu.memory_space<hbm>> -> memref<8x16x128xf32, #tpu.memory_space<hbm>>
    tpu.enqueue_dma source(%dma_start3A_9 : memref<8x16x128xf32, #tpu.memory_space<hbm>>) target(%arg5 : memref<8x16x128xf32, #tpu.memory_space<vmem>>) target_semaphore(%arg8 : memref<!tpu.dma_semaphore, #tpu.memory_space<semaphore_mem>>)
    %dma_start3A_10 = arith.constant 0 : i32
    %dma_start3A_11 = arith.constant 0 : i32
    %dma_start3A_12 = arith.constant 0 : i32
    %dma_start3A_13 = arith.constant 0 : i32
    %dma_start3A_14 = arith.constant 0 : i32
    %dma_start3A_15 = tpu.memref_slice %arg6[%dma_start3A_11, %dma_start3A_12, %dma_start3A_13, %dma_start3A_14] : memref<2x3x8x512xi32, #tpu.memory_space<vmem>> -> memref<1x3x8x512xi32, #tpu.memory_space<vmem>>
    %dma_start3A_16 = tpu.memref_squeeze %dma_start3A_15 : memref<1x3x8x512xi32, #tpu.memory_space<vmem>> -> memref<3x8x512xi32, #tpu.memory_space<vmem>>
    %dma_start3A_17 = arith.constant 0 : i32
    %dma_start3A_18 = arith.constant 0 : i32
    %dma_start3A_19 = tpu.memref_slice %arg2[%dma_start3A_10, %dma_start3A_17, %dma_start3A_18, %mul3A_2] : memref<2x3x8x16384xi32, #tpu.memory_space<hbm>> -> memref<1x3x8x512xi32, #tpu.memory_space<hbm>>
    %dma_start3A_20 = tpu.memref_squeeze %dma_start3A_19 : memref<1x3x8x512xi32, #tpu.memory_space<hbm>> -> memref<3x8x512xi32, #tpu.memory_space<hbm>>
    %dma_start3A_21 = arith.constant 0 : i32
    %dma_start3A_22 = arith.constant 0 : i32
    %dma_start3A_23 = arith.constant 0 : i32
    %dma_start3A_24 = tpu.memref_slice %arg6[%dma_start3A_11, %dma_start3A_21, %dma_start3A_22, %dma_start3A_23] : memref<2x3x8x512xi32, #tpu.memory_space<vmem>> -> memref<1x3x8x512xi32, #tpu.memory_space<vmem>>
    %dma_start3A_25 = tpu.memref_squeeze %dma_start3A_24 : memref<1x3x8x512xi32, #tpu.memory_space<vmem>> -> memref<3x8x512xi32, #tpu.memory_space<vmem>>
    %dma_start3A_26 = arith.constant 0 : i32
    %dma_start3A_27 = arith.constant 0 : i32
    %dma_start3A_28 = tpu.memref_slice %arg2[%dma_start3A_10, %dma_start3A_26, %dma_start3A_27, %mul3A_2] : memref<2x3x8x16384xi32, #tpu.memory_space<hbm>> -> memref<1x3x8x512xi32, #tpu.memory_space<hbm>>
    %dma_start3A_29 = tpu.memref_squeeze %dma_start3A_28 : memref<1x3x8x512xi32, #tpu.memory_space<hbm>> -> memref<3x8x512xi32, #tpu.memory_space<hbm>>
    tpu.enqueue_dma source(%dma_start3A_29 : memref<3x8x512xi32, #tpu.memory_space<hbm>>) target(%dma_start3A_25 : memref<3x8x512xi32, #tpu.memory_space<vmem>>) target_semaphore(%arg8 : memref<!tpu.dma_semaphore, #tpu.memory_space<semaphore_mem>>)
    %dma_start3A_30 = arith.constant 1 : i32
    %dma_start3A_31 = arith.constant 1 : i32
    %dma_start3A_32 = arith.constant 0 : i32
    %dma_start3A_33 = arith.constant 0 : i32
    %dma_start3A_34 = arith.constant 0 : i32
    %dma_start3A_35 = tpu.memref_slice %arg6[%dma_start3A_31, %dma_start3A_32, %dma_start3A_33, %dma_start3A_34] : memref<2x3x8x512xi32, #tpu.memory_space<vmem>> -> memref<1x3x8x512xi32, #tpu.memory_space<vmem>>
    %dma_start3A_36 = tpu.memref_squeeze %dma_start3A_35 : memref<1x3x8x512xi32, #tpu.memory_space<vmem>> -> memref<3x8x512xi32, #tpu.memory_space<vmem>>
    %dma_start3A_37 = arith.constant 0 : i32
    %dma_start3A_38 = arith.constant 0 : i32
    %dma_start3A_39 = tpu.memref_slice %arg2[%dma_start3A_30, %dma_start3A_37, %dma_start3A_38, %mul3A_2] : memref<2x3x8x16384xi32, #tpu.memory_space<hbm>> -> memref<1x3x8x512xi32, #tpu.memory_space<hbm>>
    %dma_start3A_40 = tpu.memref_squeeze %dma_start3A_39 : memref<1x3x8x512xi32, #tpu.memory_space<hbm>> -> memref<3x8x512xi32, #tpu.memory_space<hbm>>
    %dma_start3A_41 = arith.constant 0 : i32
    %dma_start3A_42 = arith.constant 0 : i32
    %dma_start3A_43 = arith.constant 0 : i32
    %dma_start3A_44 = tpu.memref_slice %arg6[%dma_start3A_31, %dma_start3A_41, %dma_start3A_42, %dma_start3A_43] : memref<2x3x8x512xi32, #tpu.memory_space<vmem>> -> memref<1x3x8x512xi32, #tpu.memory_space<vmem>>
    %dma_start3A_45 = tpu.memref_squeeze %dma_start3A_44 : memref<1x3x8x512xi32, #tpu.memory_space<vmem>> -> memref<3x8x512xi32, #tpu.memory_space<vmem>>
    %dma_start3A_46 = arith.constant 0 : i32
    %dma_start3A_47 = arith.constant 0 : i32
    %dma_start3A_48 = tpu.memref_slice %arg2[%dma_start3A_30, %dma_start3A_46, %dma_start3A_47, %mul3A_2] : memref<2x3x8x16384xi32, #tpu.memory_space<hbm>> -> memref<1x3x8x512xi32, #tpu.memory_space<hbm>>
    %dma_start3A_49 = tpu.memref_squeeze %dma_start3A_48 : memref<1x3x8x512xi32, #tpu.memory_space<hbm>> -> memref<3x8x512xi32, #tpu.memory_space<hbm>>
    tpu.enqueue_dma source(%dma_start3A_49 : memref<3x8x512xi32, #tpu.memory_space<hbm>>) target(%dma_start3A_45 : memref<3x8x512xi32, #tpu.memory_space<vmem>>) target_semaphore(%arg8 : memref<!tpu.dma_semaphore, #tpu.memory_space<semaphore_mem>>)
    %dma_wait3A = arith.constant 0 : i32
    %dma_wait3A_50 = arith.constant 0 : i32
    %dma_wait3A_51 = arith.constant 0 : i32
    %dma_wait3A_52 = tpu.memref_slice %arg3[%dma_wait3A, %dma_wait3A_50, %dma_wait3A_51] : memref<8x512x512xf32, #tpu.memory_space<hbm>> -> memref<8x16x128xf32, #tpu.memory_space<hbm>>
    %dma_wait3A_53 = arith.constant 0 : i32
    %dma_wait3A_54 = arith.constant 0 : i32
    %dma_wait3A_55 = arith.constant 0 : i32
    %dma_wait3A_56 = tpu.memref_slice %arg3[%dma_wait3A_53, %dma_wait3A_54, %dma_wait3A_55] : memref<8x512x512xf32, #tpu.memory_space<hbm>> -> memref<8x16x128xf32, #tpu.memory_space<hbm>>
    tpu.wait_dma2 semaphore(%arg8 : memref<!tpu.dma_semaphore, #tpu.memory_space<semaphore_mem>>) src(%dma_wait3A_56 : memref<8x16x128xf32, #tpu.memory_space<hbm>>) dst(%arg5 : memref<8x16x128xf32, #tpu.memory_space<vmem>>)
    %dma_wait3A_57 = arith.constant 0 : i32
    %dma_wait3A_58 = arith.constant 0 : i32
    %dma_wait3A_59 = arith.constant 0 : i32
    %dma_wait3A_60 = arith.constant 0 : i32
    %dma_wait3A_61 = arith.constant 0 : i32
    %dma_wait3A_62 = tpu.memref_slice %arg6[%dma_wait3A_58, %dma_wait3A_59, %dma_wait3A_60, %dma_wait3A_61] : memref<2x3x8x512xi32, #tpu.memory_space<vmem>> -> memref<1x3x8x512xi32, #tpu.memory_space<vmem>>
    %dma_wait3A_63 = tpu.memref_squeeze %dma_wait3A_62 : memref<1x3x8x512xi32, #tpu.memory_space<vmem>> -> memref<3x8x512xi32, #tpu.memory_space<vmem>>
    %dma_wait3A_64 = arith.constant 0 : i32
    %dma_wait3A_65 = arith.constant 0 : i32
    %dma_wait3A_66 = tpu.memref_slice %arg2[%dma_wait3A_57, %dma_wait3A_64, %dma_wait3A_65, %mul3A_2] : memref<2x3x8x16384xi32, #tpu.memory_space<hbm>> -> memref<1x3x8x512xi32, #tpu.memory_space<hbm>>
    %dma_wait3A_67 = tpu.memref_squeeze %dma_wait3A_66 : memref<1x3x8x512xi32, #tpu.memory_space<hbm>> -> memref<3x8x512xi32, #tpu.memory_space<hbm>>
    %dma_wait3A_68 = arith.constant 0 : i32
    %dma_wait3A_69 = arith.constant 0 : i32
    %dma_wait3A_70 = arith.constant 0 : i32
    %dma_wait3A_71 = tpu.memref_slice %arg6[%dma_wait3A_58, %dma_wait3A_68, %dma_wait3A_69, %dma_wait3A_70] : memref<2x3x8x512xi32, #tpu.memory_space<vmem>> -> memref<1x3x8x512xi32, #tpu.memory_space<vmem>>
    %dma_wait3A_72 = tpu.memref_squeeze %dma_wait3A_71 : memref<1x3x8x512xi32, #tpu.memory_space<vmem>> -> memref<3x8x512xi32, #tpu.memory_space<vmem>>
    %dma_wait3A_73 = arith.constant 0 : i32
    %dma_wait3A_74 = arith.constant 0 : i32
    %dma_wait3A_75 = tpu.memref_slice %arg2[%dma_wait3A_57, %dma_wait3A_73, %dma_wait3A_74, %mul3A_2] : memref<2x3x8x16384xi32, #tpu.memory_space<hbm>> -> memref<1x3x8x512xi32, #tpu.memory_space<hbm>>
    %dma_wait3A_76 = tpu.memref_squeeze %dma_wait3A_75 : memref<1x3x8x512xi32, #tpu.memory_space<hbm>> -> memref<3x8x512xi32, #tpu.memory_space<hbm>>
    tpu.wait_dma2 semaphore(%arg8 : memref<!tpu.dma_semaphore, #tpu.memory_space<semaphore_mem>>) src(%dma_wait3A_76 : memref<3x8x512xi32, #tpu.memory_space<hbm>>) dst(%dma_wait3A_72 : memref<3x8x512xi32, #tpu.memory_space<vmem>>)
    %dma_wait3A_77 = arith.constant 1 : i32
    %dma_wait3A_78 = arith.constant 1 : i32
    %dma_wait3A_79 = arith.constant 0 : i32
    %dma_wait3A_80 = arith.constant 0 : i32
    %dma_wait3A_81 = arith.constant 0 : i32
    %dma_wait3A_82 = tpu.memref_slice %arg6[%dma_wait3A_78, %dma_wait3A_79, %dma_wait3A_80, %dma_wait3A_81] : memref<2x3x8x512xi32, #tpu.memory_space<vmem>> -> memref<1x3x8x512xi32, #tpu.memory_space<vmem>>
    %dma_wait3A_83 = tpu.memref_squeeze %dma_wait3A_82 : memref<1x3x8x512xi32, #tpu.memory_space<vmem>> -> memref<3x8x512xi32, #tpu.memory_space<vmem>>
    %dma_wait3A_84 = arith.constant 0 : i32
    %dma_wait3A_85 = arith.constant 0 : i32
    %dma_wait3A_86 = tpu.memref_slice %arg2[%dma_wait3A_77, %dma_wait3A_84, %dma_wait3A_85, %mul3A_2] : memref<2x3x8x16384xi32, #tpu.memory_space<hbm>> -> memref<1x3x8x512xi32, #tpu.memory_space<hbm>>
    %dma_wait3A_87 = tpu.memref_squeeze %dma_wait3A_86 : memref<1x3x8x512xi32, #tpu.memory_space<hbm>> -> memref<3x8x512xi32, #tpu.memory_space<hbm>>
    %dma_wait3A_88 = arith.constant 0 : i32
    %dma_wait3A_89 = arith.constant 0 : i32
    %dma_wait3A_90 = arith.constant 0 : i32
    %dma_wait3A_91 = tpu.memref_slice %arg6[%dma_wait3A_78, %dma_wait3A_88, %dma_wait3A_89, %dma_wait3A_90] : memref<2x3x8x512xi32, #tpu.memory_space<vmem>> -> memref<1x3x8x512xi32, #tpu.memory_space<vmem>>
    %dma_wait3A_92 = tpu.memref_squeeze %dma_wait3A_91 : memref<1x3x8x512xi32, #tpu.memory_space<vmem>> -> memref<3x8x512xi32, #tpu.memory_space<vmem>>
    %dma_wait3A_93 = arith.constant 0 : i32
    %dma_wait3A_94 = arith.constant 0 : i32
    %dma_wait3A_95 = tpu.memref_slice %arg2[%dma_wait3A_77, %dma_wait3A_93, %dma_wait3A_94, %mul3A_2] : memref<2x3x8x16384xi32, #tpu.memory_space<hbm>> -> memref<1x3x8x512xi32, #tpu.memory_space<hbm>>
    %dma_wait3A_96 = tpu.memref_squeeze %dma_wait3A_95 : memref<1x3x8x512xi32, #tpu.memory_space<hbm>> -> memref<3x8x512xi32, #tpu.memory_space<hbm>>
    tpu.wait_dma2 semaphore(%arg8 : memref<!tpu.dma_semaphore, #tpu.memory_space<semaphore_mem>>) src(%dma_wait3A_96 : memref<3x8x512xi32, #tpu.memory_space<hbm>>) dst(%dma_wait3A_92 : memref<3x8x512xi32, #tpu.memory_space<vmem>>)
    %scan3A = arith.constant 0 : i32
    %scan3A_97 = arith.constant 0 : i32
    %scan3A_98 = arith.constant 256 : i32
    %scan3A_99 = arith.addi %scan3A_97, %scan3A_98 : i32
    %scan3A_100 = arith.constant 1 : i32
    scf.for %scan3A_114 = %scan3A_97 to %scan3A_99 step %scan3A_100  : i32 {
      %shift_right_arithmetic3A = arith.constant 5 : i32
      %shift_right_arithmetic3A_115 = arith.shrsi %scan3A_114, %shift_right_arithmetic3A : i32
      %and3A = arith.constant 31 : i32
      %and3A_116 = arith.andi %scan3A_114, %and3A : i32
      %mul3A_117 = arith.constant 16 : i32
      %mul3A_118 = arith.muli %and3A_116, %mul3A_117 : i32
      %get3A = arith.constant 0 : i32
      %get3A_119 = arith.constant 0 : i32
      %get3A_120 = arith.index_cast %get3A : i32 to index
      %get3A_121 = arith.index_cast %get3A_119 : i32 to index
      %get3A_122 = arith.index_cast %shift_right_arithmetic3A_115 : i32 to index
      %get3A_123 = arith.index_cast %mul3A_118 : i32 to index
      %get3A_124 = tpu.vector_load %arg6[%get3A_120, %get3A_121, %get3A_122, %get3A_123] {strides = array<i32>} : memref<2x3x8x512xi32, #tpu.memory_space<vmem>>, vector<16xi32>,
      %get3A_125 = arith.constant 0 : i32
      %get3A_126 = arith.constant 1 : i32
      %get3A_127 = arith.index_cast %get3A_125 : i32 to index
      %get3A_128 = arith.index_cast %get3A_126 : i32 to index
      %get3A_129 = arith.index_cast %shift_right_arithmetic3A_115 : i32 to index
      %get3A_130 = arith.index_cast %mul3A_118 : i32 to index
      %get3A_131 = tpu.vector_load %arg6[%get3A_127, %get3A_128, %get3A_129, %get3A_130] {strides = array<i32>} : memref<2x3x8x512xi32, #tpu.memory_space<vmem>>, vector<16xi32>,
      %get3A_132 = arith.constant 0 : i32
      %get3A_133 = arith.constant 2 : i32
      %get3A_134 = arith.index_cast %get3A_132 : i32 to index
      %get3A_135 = arith.index_cast %get3A_133 : i32 to index
      %get3A_136 = arith.index_cast %shift_right_arithmetic3A_115 : i32 to index
      %get3A_137 = arith.index_cast %mul3A_118 : i32 to index
      %get3A_138 = tpu.vector_load %arg6[%get3A_134, %get3A_135, %get3A_136, %get3A_137] {strides = array<i32>} : memref<2x3x8x512xi32, #tpu.memory_space<vmem>>, vector<16xi32>,
      %mul3A_139 = arith.constant 1 : i32
      %mul3A_140 = vector.broadcast %mul3A_139 : i32 to vector<16xi32>
      %mul3A_141 = arith.muli %get3A_131, %mul3A_140 : vector<16xi32>
      %mul3A_142 = arith.constant 1 : i32
      %mul3A_143 = vector.broadcast %mul3A_142 : i32 to vector<16xi32>
      %mul3A_144 = arith.muli %get3A_138, %mul3A_143 : vector<16xi32>
      %gather3A = tpu.vector_load_idx %arg5[%get3A_124, %mul3A_141, %mul3A_144] : memref<8x16x128xf32, #tpu.memory_space<vmem>>[vector<16xi32>, vector<16xi32>, vector<16xi32>], vector<16xf32>,
      %mul3A_145 = arith.constant 16 : i32
      %mul3A_146 = arith.muli %scan3A_114, %mul3A_145 : i32
      %add3A_147 = arith.constant 0 : i32
      %add3A_148 = arith.addi %add3A_147, %mul3A_146 : i32
      %swap3A = arith.index_cast %add3A_148 : i32 to index
      %swap3A_149 = tpu.vector_load %arg7[%swap3A] {strides = array<i32>} : memref<8192xf32, #tpu.memory_space<vmem>>, vector<16xf32>,
      tpu.vector_store %arg7[%swap3A], %gather3A {strides = array<i32>} : memref<8192xf32, #tpu.memory_space<vmem>>, vector<16xf32>,
    }
    %scan3A_101 = arith.constant 256 : i32
    %scan3A_102 = arith.constant 0 : i32
    %scan3A_103 = arith.constant 0 : i32
    %scan3A_104 = arith.constant 256 : i32
    %scan3A_105 = arith.addi %scan3A_103, %scan3A_104 : i32
    %scan3A_106 = arith.constant 1 : i32
    scf.for %scan3A_114 = %scan3A_103 to %scan3A_105 step %scan3A_106  : i32 {
      %shift_right_arithmetic3A = arith.constant 5 : i32
      %shift_right_arithmetic3A_115 = arith.shrsi %scan3A_114, %shift_right_arithmetic3A : i32
      %and3A = arith.constant 31 : i32
      %and3A_116 = arith.andi %scan3A_114, %and3A : i32
      %mul3A_117 = arith.constant 16 : i32
      %mul3A_118 = arith.muli %and3A_116, %mul3A_117 : i32
      %get3A = arith.constant 1 : i32
      %get3A_119 = arith.constant 0 : i32
      %get3A_120 = arith.index_cast %get3A : i32 to index
      %get3A_121 = arith.index_cast %get3A_119 : i32 to index
      %get3A_122 = arith.index_cast %shift_right_arithmetic3A_115 : i32 to index
      %get3A_123 = arith.index_cast %mul3A_118 : i32 to index
      %get3A_124 = tpu.vector_load %arg6[%get3A_120, %get3A_121, %get3A_122, %get3A_123] {strides = array<i32>} : memref<2x3x8x512xi32, #tpu.memory_space<vmem>>, vector<16xi32>,
      %get3A_125 = arith.constant 1 : i32
      %get3A_126 = arith.constant 1 : i32
      %get3A_127 = arith.index_cast %get3A_125 : i32 to index
      %get3A_128 = arith.index_cast %get3A_126 : i32 to index
      %get3A_129 = arith.index_cast %shift_right_arithmetic3A_115 : i32 to index
      %get3A_130 = arith.index_cast %mul3A_118 : i32 to index
      %get3A_131 = tpu.vector_load %arg6[%get3A_127, %get3A_128, %get3A_129, %get3A_130] {strides = array<i32>} : memref<2x3x8x512xi32, #tpu.memory_space<vmem>>, vector<16xi32>,
      %get3A_132 = arith.constant 1 : i32
      %get3A_133 = arith.constant 2 : i32
      %get3A_134 = arith.index_cast %get3A_132 : i32 to index
      %get3A_135 = arith.index_cast %get3A_133 : i32 to index
      %get3A_136 = arith.index_cast %shift_right_arithmetic3A_115 : i32 to index
      %get3A_137 = arith.index_cast %mul3A_118 : i32 to index
      %get3A_138 = tpu.vector_load %arg6[%get3A_134, %get3A_135, %get3A_136, %get3A_137] {strides = array<i32>} : memref<2x3x8x512xi32, #tpu.memory_space<vmem>>, vector<16xi32>,
      %mul3A_139 = arith.constant 2 : i32
      %mul3A_140 = vector.broadcast %mul3A_139 : i32 to vector<16xi32>
      %mul3A_141 = arith.muli %get3A_131, %mul3A_140 : vector<16xi32>
      %mul3A_142 = arith.constant 2 : i32
      %mul3A_143 = vector.broadcast %mul3A_142 : i32 to vector<16xi32>
      %mul3A_144 = arith.muli %get3A_138, %mul3A_143 : vector<16xi32>
      %gather3A = tpu.vector_load_idx %arg5[%get3A_124, %mul3A_141, %mul3A_144] : memref<8x16x128xf32, #tpu.memory_space<vmem>>[vector<16xi32>, vector<16xi32>, vector<16xi32>], vector<16xf32>,
      %mul3A_145 = arith.constant 16 : i32
      %mul3A_146 = arith.muli %scan3A_114, %mul3A_145 : i32
      %add3A_147 = arith.constant 4096 : i32
      %add3A_148 = arith.addi %add3A_147, %mul3A_146 : i32
      %swap3A = arith.index_cast %add3A_148 : i32 to index
      %swap3A_149 = tpu.vector_load %arg7[%swap3A] {strides = array<i32>} : memref<8192xf32, #tpu.memory_space<vmem>>, vector<16xf32>,
      tpu.vector_store %arg7[%swap3A], %gather3A {strides = array<i32>} : memref<8192xf32, #tpu.memory_space<vmem>>, vector<16xf32>,
    }
    %scan3A_107 = arith.constant 256 : i32
    %mul3A_108 = arith.constant 2 : i32
    %mul3A_109 = arith.muli %add3A, %mul3A_108 : i32
    %mul3A_110 = arith.constant 8 : i32
    %mul3A_111 = arith.muli %mul3A_109, %mul3A_110 : i32
    %mul3A_112 = arith.constant 512 : i32
    %mul3A_113 = arith.muli %mul3A_111, %mul3A_112 : i32
    "tpu.region"() ({
      %run_scoped3A = tpu.sem_alloc : memref<!tpu.dma_semaphore, #tpu.memory_space<semaphore_mem>>
      %dma_start3A_114 = tpu.memref_slice %arg4[%mul3A_113] : memref<262144xf32, #tpu.memory_space<hbm>> -> memref<8192xf32, #tpu.memory_space<hbm>>
      %dma_start3A_115 = tpu.memref_slice %arg4[%mul3A_113] : memref<262144xf32, #tpu.memory_space<hbm>> -> memref<8192xf32, #tpu.memory_space<hbm>>
      tpu.enqueue_dma source(%arg7 : memref<8192xf32, #tpu.memory_space<vmem>>) target(%dma_start3A_115 : memref<8192xf32, #tpu.memory_space<hbm>>) target_semaphore(%run_scoped3A : memref<!tpu.dma_semaphore, #tpu.memory_space<semaphore_mem>>)
      %dma_wait3A_116 = tpu.memref_slice %arg4[%mul3A_113] : memref<262144xf32, #tpu.memory_space<hbm>> -> memref<8192xf32, #tpu.memory_space<hbm>>
      %dma_wait3A_117 = tpu.memref_slice %arg4[%mul3A_113] : memref<262144xf32, #tpu.memory_space<hbm>> -> memref<8192xf32, #tpu.memory_space<hbm>>
      tpu.wait_dma2 semaphore(%run_scoped3A : memref<!tpu.dma_semaphore, #tpu.memory_space<semaphore_mem>>) src(%arg7 : memref<8192xf32, #tpu.memory_space<vmem>>) dst(%dma_wait3A_117 : memref<8192xf32, #tpu.memory_space<hbm>>)
      tpu.yield
    }) : () -> ()
    return
  }
}

module attributes {stable_mosaic.version = 14 : i64} {
  func.func @_tc_loss_body(%arg0: i32, %arg1: memref<2x8x1x1x512xf32, #tpu.memory_space<vmem>>, %arg2: memref<1x2x8x1x512xf32, #tpu.memory_space<vmem>>, %arg3: memref<1x1xf32, #tpu.memory_space<vmem>>) attributes {dimension_semantics = [#tpu.dimension_semantics<arbitrary>], iteration_bounds = array<i64: 32>, scalar_prefetch = 0 : i64, scratch_operands = 0 : i64, tpu.core_type = #tpu.core_type<tc>, window_params = [{transform_indices = @transform_0, window_bounds = array<i64: 2, 8, 1, 1, 512>}, {transform_indices = @transform_1, window_bounds = array<i64: 1, 2, 8, 1, 512>}, {pipeline_mode = #tpu.pipeline_mode<synchronous>, transform_indices = @transform_2, window_bounds = array<i64: 1, 1>}]} {
    %get3A = arith.constant 0 : index
    %get3A_0 = arith.constant 0 : index
    %get3A_1 = arith.constant 0 : index
    %get3A_2 = arith.constant 0 : index
    %get3A_3 = arith.constant 0 : index
    %get3A_4 = vector.load %arg1[%get3A, %get3A_0, %get3A_1, %get3A_2, %get3A_3] : memref<2x8x1x1x512xf32, #tpu.memory_space<vmem>>, vector<2x8x1x1x512xf32>
    %get3A_5 = vector.shape_cast %get3A_4 : vector<2x8x1x1x512xf32> to vector<2x8x512xf32>
    %get3A_6 = arith.constant 0 : index
    %get3A_7 = arith.constant 0 : index
    %get3A_8 = arith.constant 0 : index
    %get3A_9 = arith.constant 0 : index
    %get3A_10 = arith.constant 0 : index
    %get3A_11 = vector.load %arg2[%get3A_6, %get3A_7, %get3A_8, %get3A_9, %get3A_10] : memref<1x2x8x1x512xf32, #tpu.memory_space<vmem>>, vector<1x2x8x1x512xf32>
    %get3A_12 = vector.shape_cast %get3A_11 : vector<1x2x8x1x512xf32> to vector<2x8x512xf32>
    %log3A = math.log %get3A_5 : vector<2x8x512xf32>
    %max3A = arith.constant -1.000000e+02 : f32
    %max3A_13 = vector.broadcast %max3A : f32 to vector<2x8x512xf32>
    %max3A_14 = arith.maximumf %log3A, %max3A_13 : vector<2x8x512xf32>
    %sub3A = arith.constant 1.000000e+00 : f32
    %sub3A_15 = vector.broadcast %sub3A : f32 to vector<2x8x512xf32>
    %sub3A_16 = arith.subf %sub3A_15, %get3A_5 : vector<2x8x512xf32>
    %log3A_17 = math.log %sub3A_16 : vector<2x8x512xf32>
    %max3A_18 = arith.constant -1.000000e+02 : f32
    %max3A_19 = vector.broadcast %max3A_18 : f32 to vector<2x8x512xf32>
    %max3A_20 = arith.maximumf %log3A_17, %max3A_19 : vector<2x8x512xf32>
    %sub3A_21 = arith.subf %max3A_14, %max3A_20 : vector<2x8x512xf32>
    %mul3A = arith.mulf %get3A_12, %sub3A_21 : vector<2x8x512xf32>
    %add3A = arith.addf %max3A_20, %mul3A : vector<2x8x512xf32>
    %reduce_sum3A = vector.shape_cast %add3A : vector<2x8x512xf32> to vector<1x2x8x512xf32>
    %reduce_sum3A_22 = arith.constant dense<0.000000e+00> : vector<1xf32>
    %reduce_sum3A_23 = vector.multi_reduction <add>, %reduce_sum3A, %reduce_sum3A_22 [1, 2, 3] : vector<1x2x8x512xf32> to vector<1xf32>
    %reduce_sum3A_24 = vector.shape_cast %reduce_sum3A_23 : vector<1xf32> to vector<1x1x1x1xf32>
    %reduce_sum3A_25 = vector.extract %reduce_sum3A_24[0, 0, 0, 0] : f32 from vector<1x1x1x1xf32>
    %eq3A = arith.constant 0 : i32
    %eq3A_26 = arith.cmpi eq, %arg0, %eq3A : i32
    %convert_element_type3A = arith.extui %eq3A_26 : i1 to i32
    %cond3A = arith.constant 0 : i32
    %cond3A_27 = arith.cmpi ne, %convert_element_type3A, %cond3A : i32
    scf.if %cond3A_27 {
      %broadcast_in_dim3A_34 = arith.constant 0.000000e+00 : f32
      %broadcast_in_dim3A_35 = vector.broadcast %broadcast_in_dim3A_34 : f32 to vector<1x1xf32>
      %swap3A_36 = arith.constant 0 : index
      %swap3A_37 = arith.constant 0 : index
      %swap3A_38 = vector.load %arg3[%swap3A_36, %swap3A_37] : memref<1x1xf32, #tpu.memory_space<vmem>>, vector<1x1xf32>
      tpu.vector_store %arg3[%swap3A_36, %swap3A_37], %broadcast_in_dim3A_35 {strides = array<i32>} : memref<1x1xf32, #tpu.memory_space<vmem>>, vector<1x1xf32>,
    } else {
    }
    %get3A_28 = arith.constant 0 : index
    %get3A_29 = arith.constant 0 : index
    %get3A_30 = vector.load %arg3[%get3A_28, %get3A_29] : memref<1x1xf32, #tpu.memory_space<vmem>>, vector<1x1xf32>
    %broadcast_in_dim3A = vector.broadcast %reduce_sum3A_25 : f32 to vector<1x1xf32>
    %add3A_31 = arith.addf %get3A_30, %broadcast_in_dim3A : vector<1x1xf32>
    %swap3A = arith.constant 0 : index
    %swap3A_32 = arith.constant 0 : index
    %swap3A_33 = vector.load %arg3[%swap3A, %swap3A_32] : memref<1x1xf32, #tpu.memory_space<vmem>>, vector<1x1xf32>
    tpu.vector_store %arg3[%swap3A, %swap3A_32], %add3A_31 {strides = array<i32>} : memref<1x1xf32, #tpu.memory_space<vmem>>, vector<1x1xf32>,
    return
  }
  func.func @transform_0(%arg0: i32) -> (i32, i32, i32, i32, i32) {
    %c0_i32 = arith.constant 0 : i32
    %c0_i32_0 = arith.constant 0 : i32
    %c0_i32_1 = arith.constant 0 : i32
    %c0_i32_2 = arith.constant 0 : i32
    %c0_i32_3 = arith.constant 0 : i32
    return %c0_i32, %c0_i32_0, %arg0, %c0_i32_1, %c0_i32_2 : i32, i32, i32, i32, i32
  }
  func.func @transform_1(%arg0: i32) -> (i32, i32, i32, i32, i32) {
    %c0_i32 = arith.constant 0 : i32
    %c0_i32_0 = arith.constant 0 : i32
    %c0_i32_1 = arith.constant 0 : i32
    %c0_i32_2 = arith.constant 0 : i32
    %c0_i32_3 = arith.constant 0 : i32
    return %arg0, %c0_i32, %c0_i32_0, %c0_i32_1, %c0_i32_2 : i32, i32, i32, i32, i32
  }
  func.func @transform_2(%arg0: i32) -> (i32, i32) {
    %c0_i32 = arith.constant 0 : i32
    %c0_i32_0 = arith.constant 0 : i32
    %c0_i32_1 = arith.constant 0 : i32
    return %c0_i32, %c0_i32_0 : i32, i32
  }
}

</mosaic_0001>

<sc_bundles>
// kernel: kernel.4.cloned.1.call-start
scs
__scs_entry_jumppad:
0x0: {  	(pc) =	sbr.rel $0x88, $3  }
0x1: {  	(tag) =	ssettag $0x0;
	lr =	simm.s32 $0x1  }
0x2: {  	[smem:$0x3F9E] =	sst lr;
	_ =	strace $0xD0000000  }
0x3: {  	_ = 	snop  }
0x4: {  	_ = 	snop  }
0x5: {  	_ = 	snop  }
0x6: {  	_ = 	snop  }
0x7: {  	_ = 	snop  }
__scs_overlays_trampoline_lowered:
0x8: {  	[smem:$0x3FAD] =	sst s0  }
0x9: {  	[smem:$0x3FAE] =	sst s1  }
0xa: {  	[smem:$0x3FAF] =	sst s2  }
0xb: {  	[smem:$0x3FB0] =	sst s3  }
0xc: {  	[smem:$0x3FB1] =	sst s4  }
0xd: {  	[smem:$0x3FB2] =	sst s5  }
0xe: {  	[smem:$0x3FB3] =	sst s6  }
0xf: {  	[smem:$0x3FB4] =	sst s7  }
0x10: {  	[smem:$0x3FB5] =	sst s8  }
0x11: {  	[smem:$0x3FB6] =	sst s9;
	s0 =	simm.s32 @!p0 $0x0  }
0x12: {  	s1 =	sld [smem:$0x3F9C];
	s0 =	simm.s32 @p0 $0x1  }
0x13: {  	[smem:$0x3FB7] =	sst s0;
	s0 =	simm.s32 @!p1 $0x0  }
0x14: {  	s2 =	sld [smem:$0x3F9B];
	s0 =	simm.s32 @p1 $0x1  }
0x15: {  	[smem:$0x3FB8] =	sst s0;
	s0 =	simm.s32 @!p2 $0x0  }
0x16: {  	s3 =	sld [smem:$0x3FDB];
	s0 =	simm.s32 @p2 $0x1  }
0x17: {  	s4 =	simm.s32 $0x1BF5;
	[smem:$0x3FBA] =	sst s0  }
0x18: {  	s0 =	sld [smem:$0x3F9D];
	_ =	swait.ge [sflag:s4], $0x0  }
0x19: {  	s7 =	sld [smem:$0x3F9E]  }
0x1a: {  	s8 =	sadd.s32 $0xFFFFE003, lr  }
0x1b: {  	s9 =	sadd.s32 $0xFFFFFEF7, lr;
	s5 =	simm.s32 $0xFFFFFFFF;
	p2 =	slt.u32 s8, $0xFFFFF086  }
0x1c: {  	p1 =	slt.u32 s9, $0xF7A;
	s5 =	simm.s32 @!p2 $0x0  }
0x1d: {  	s5 =	simm.s32 @p1 $0x1;
	p0 =	seq.s32 s7, s2  }
0x1e: {  	s7 =	smul.u32 @!p0 $0xF7A, s2;
	p2 =	seq.s32 @!p0 s5, $0x0  }
0x1f: {  	s9 =	smul.u32 $0xF7A, s1;
	s8 =	simm.s32 @!p0 $0x1BF5;
	p2 =	por !p2, p0  }
0x20: {  	[sflag:s8] =	ssyncset.s32 @!p0 $0xFFFFF086;
	s6 =	sadd.s32 @!p0 s3, s7;
	s7 =	simm.s32 @!p0 $0x108  }
0x21: {  	s3 =	sadd.s32 s3, s9;
	s6 =	sadd.s32 @!p0 $0x88, s6;
	s7 =	simm.s32 @p2 $0x1082  }
0x22: {  	[simem:s7], [sflag:s8] =	dma.local @!p0 [hbm:s6], $0xF7A  }
0x23: {  	s9 =	sor.u32 $0xD0000000, s2;
	s6 =	simm.s32 $0x108;
	_ =	swait.ge @!p0 [sflag:s8], $0x0  }
0x24: {  	s3 =	sadd.s32 $0x88, s3;
	s6 =	simm.s32 @!p1 $0x1082;
	[sflag:s4] =	ssyncset.s32 $0xFFFFF086  }
0x25: {  	[simem:s6], [sflag:s4] =	dma.local [hbm:s3], $0xF7A  }
0x26: {  	[smem:$0x3F9E] =	sst s1;
	(tag) =	ssettag s2;
	_ =	strace s9  }
0x27: {  	s1 =	sld [smem:$0x3FAE]  }
0x28: {  	s2 =	sld [smem:$0x3FAF]  }
0x29: {  	s4 =	sld [smem:$0x3FB1]  }
0x2a: {  	p0 =	seq.s32 s5, $0x0;
	s5 =	sld [smem:$0x3FB2]  }
0x2b: {  	s6 =	sld [smem:$0x3FB3]  }
0x2c: {  	s7 =	sld [smem:$0x3FB4]  }
0x2d: {  	s3 =	simm.s32 $0x108;
	s8 =	sld [smem:$0x3FB5]  }
0x2e: {  	s3 =	simm.s32 @!p0 $0x1082;
	s9 =	sld [smem:$0x3FB6]  }
0x2f: {  	lr =	sadd.s32 s0, s3;
	s0 =	sld [smem:$0x3FAD]  }
0x30: {  	s3 =	sld [smem:$0x3FB0]  }
0x31: {  	[smem:$0x3FB9] =	sst s10  }
0x32: {  	s10 =	sld [smem:$0x3FB7];
	_ =	sdelay $0x3  }
0x33: {  	p0 =	seq.s32 s10, $0x1;
	s10 =	sld [smem:$0x3FB9];
	_ =	sdelay $0x3  }
0x34: {  	[smem:$0x3FB9] =	sst s10  }
0x35: {  	s10 =	sld [smem:$0x3FB8];
	_ =	sdelay $0x3  }
0x36: {  	p1 =	seq.s32 s10, $0x1;
	s10 =	sld [smem:$0x3FB9];
	_ =	sdelay $0x3  }
0x37: {  	[smem:$0x3FB9] =	sst s10  }
0x38: {  	s10 =	sld [smem:$0x3FBA]  }
0x39: {  	_ = 	snop;
	(pc) =	sbr.ind lr, $3  }
0x3a: {  	_ = 	snop  }
0x3b: {  	_ = 	snop  }
0x3c: {  	p2 =	seq.s32 s10, $0x1;
	s10 =	sld [smem:$0x3FB9]  }
0x3d: {  	_ =	shalt  }
0x3e: {  	_ =	shalt  }
0x3f: {  	_ =	shalt  }
0x40: {  	_ =	shalt  }
0x41: {  	_ =	shalt  }
0x42: {  	_ =	shalt  }
0x43: {  	_ =	shalt  }
0x44: {  	_ =	shalt  }
0x45: {  	_ =	shalt  }
0x46: {  	_ =	shalt  }
0x47: {  	_ =	shalt  }
0x48: {  	_ =	shalt  }
0x49: {  	_ =	shalt  }
0x4a: {  	_ =	shalt  }
0x4b: {  	_ =	shalt  }
0x4c: {  	_ =	shalt  }
0x4d: {  	_ =	shalt  }
0x4e: {  	_ =	shalt  }
0x4f: {  	_ =	shalt  }
0x50: {  	_ =	shalt  }
0x51: {  	_ =	shalt  }
0x52: {  	_ =	shalt  }
0x53: {  	_ =	shalt  }
0x54: {  	_ =	shalt  }
0x55: {  	_ =	shalt  }
0x56: {  	_ =	shalt  }
0x57: {  	_ =	shalt  }
0x58: {  	_ =	shalt  }
0x59: {  	_ =	shalt  }
0x5a: {  	_ =	shalt  }
0x5b: {  	_ =	shalt  }
0x5c: {  	_ =	shalt  }
0x5d: {  	_ =	shalt  }
0x5e: {  	_ =	shalt  }
0x5f: {  	_ =	shalt  }
0x60: {  	_ =	shalt  }
0x61: {  	_ =	shalt  }
0x62: {  	_ =	shalt  }
0x63: {  	_ =	shalt  }
0x64: {  	_ =	shalt  }
0x65: {  	_ =	shalt  }
0x66: {  	_ =	shalt  }
0x67: {  	_ =	shalt  }
0x68: {  	_ =	shalt  }
0x69: {  	_ =	shalt  }
0x6a: {  	_ =	shalt  }
0x6b: {  	_ =	shalt  }
0x6c: {  	_ =	shalt  }
0x6d: {  	_ =	shalt  }
0x6e: {  	_ =	shalt  }
0x6f: {  	_ =	shalt  }
0x70: {  	_ =	shalt  }
0x71: {  	_ =	shalt  }
0x72: {  	_ =	shalt  }
0x73: {  	_ =	shalt  }
0x74: {  	_ =	shalt  }
0x75: {  	_ =	shalt  }
0x76: {  	_ =	shalt  }
0x77: {  	_ =	shalt  }
0x78: {  	_ =	shalt  }
0x79: {  	_ =	shalt  }
0x7a: {  	_ =	shalt  }
0x7b: {  	_ =	shalt  }
0x7c: {  	_ =	shalt  }
0x7d: {  	_ =	shalt  }
0x7e: {  	_ =	shalt  }
0x7f: {  	_ =	shalt  }
0x80: {  	_ =	shalt  }
0x81: {  	_ =	shalt  }
0x82: {  	_ =	shalt  }
0x83: {  	_ =	shalt  }
0x84: {  	_ =	shalt  }
0x85: {  	_ =	shalt  }
0x86: {  	_ =	shalt  }
0x87: {  	_ =	shalt  }
.Lfunc_end0:
.L_simem_size_0:
called_computation_lowered:
.L_overlay_start_0:
0x88: {  	s2 =	sld [smem:$0x3FD9]  }
0x89: {  	s3 =	sld [smem:$0x3FFE];
	_ =	sdelay $0x1  }
0x8a: {  	s1 =	srdreg.scid  }
0x8b: {  	s0 =	sand.u32 $0x1, s1  }
0x8c: {  	s17 =	sshll.u32 s0, $0xA;
	s2 =	sadd.s32 s3, s2  }
0x8d: {  	s2 =	sadd.s32 s2, s17  }
0x8e: {  	[smem:$0x3FC5] =	sst s2  }
0x8f: {  	_ = 	snop  }
0x90: {  	s2 =	sld [smem:$0x3FC8]  }
0x91: {  	s18 =	sld [smem:$0x3FC7];
	(tm) =	ssettm $0x1  }
0x92: {  	s4 =	sld [smem:$0x3FFB];
	_ =	sdelay $0x3  }
0x93: {  	_ =	strace s4  }
0x94: {  	s4 =	sld [smem:$0x3FFC];
	_ =	sdelay $0x3  }
0x95: {  	_ =	strace s4  }
0x96: {  	s4 =	sld [smem:$0x3FFD];
	_ =	sdelay $0x3  }
0x97: {  	_ =	strace s4  }
0x98: {  	_ =	strace $0x8FFFFFFF  }
0x99: {  	s19 =	sld [smem:$0x3FDB];
	_ =	sdelay $0x1  }
0x9a: {  	s5 =	simm.s32 $_scs_section_size  }
0x9b: {  	s6 =	simm.s32 $_size__tile_overlayer_lowered;
	s7 =	simm.s32 $_tile_overlayer_lowered  }
0x9c: {  	s22 =	simm.s32 $0x1BFF;
	s21 =	sshll.u32 s7, $0x1;
	s4 =	sadd.s32 s5, s19  }
0x9d: {  	s8 =	simm.s32 $0x0;
	s20 =	sshll.u32 s6, $0x1;
	s6 =	sadd.s32 s21, s4  }
0x9e: {  	[timem:s8], [sflag:s22] =	dma.local [hbm:s6], s20  }
0x9f: {  	_ =	swait.ge [sflag:s22], s20  }
0xa0: {  	s5 =	ssub.s32 $0x0, s20;
	[sflag:s22] =	ssyncset.done $0x0  }
0xa1: {  	[sflag:s22] =	ssyncadd.s32 s5;
	_ =	sdelay $0x1  }
0xa2: {  	s23 =	simm.s32 $0x1B8B  }
0xa3: {  	_ =	swait.ge [sflag:s23], $0x1  }
0xa4: {  	[sflag:s23] =	ssyncset.done $0x0  }
0xa5: {  	s25 =	simm.s32 $0x1B8E;
	s24 =	sld [smem:$0x3FFE];
	[sflag:s23] =	ssyncadd.s32 $0xFFFFFFFF  }
0xa6: {  	s26 =	simm.s32 $execute0_lowered;
	[smem:$0x3FD2] =	sst s25  }
0xa7: {  	s6 =	sshll.u32 s26, $0x1;
	_ =	strace $0x80000046;
	[dreg:$0x1] =	wrdreg $0xFFFFFFFF  }
0xa8: {  	s28 =	simm.s32 $_size_execute0_lowered;
	s4 =	sadd.s32 s4, s6;
	[dreg:$0x0] =	wrdreg $0x0  }
0xa9: {  	s6 =	sshll.u32 s28, $0x1;
	[dreg:$0x2] =	wrdreg s4  }
0xaa: {  	[dreg:$0x3] =	wrdreg s6  }
0xab: {  	[dreg:$0x4] =	wrdreg $0xC0  }
0xac: {  	_ =	task [dreg:s8], $0x5FFFF  }
0xad: {  	[dreg:$0x1] =	wrdreg $0xFFFFFFFF  }
0xae: {  	[dreg:$0x0] =	wrdreg $0x60  }
0xaf: {  	[dreg:$0x2] =	wrdreg s2  }
0xb0: {  	[dreg:$0x3] =	wrdreg s18  }
0xb1: {  	[dreg:$0x4] =	wrdreg s24  }
0xb2: {  	[dreg:$0x5] =	wrdreg $0x9  }
0xb3: {  	_ =	task.clear_ibuf [dreg:s8], $0x6FFFF;
	_ =	strace $0x90000046  }
0xb4: {  	s29 =	simm.s32 $0x9;
	_ =	strace $0x80000048  }
0xb5: {  	_ =	swait.ge [sflag:s29], $0x1  }
0xb6: {  	[sflag:s29] =	ssyncadd.s32 $0xFFFFFFFF  }
0xb7: {  	_ =	strace $0x90000048  }
0xb8: {  	_ =	sfence  }
0xb9: {  	s30 =	sld [smem:$0x0];
	_ =	sdelay $0x2  }
0xba: {  	s31 =	sshll.u32 s1, $0xD;
	s1 =	sshrl.u32 s1, $0x2  }
0xbb: {  	s3 =	sand.u32 $0x4000, s31;
	s1 =	sadd.s32 s1, s30  }
0xbc: {  	s0 =	sor.u32 s3, s0;
	s1 =	sshll.u32 s1, $0x11  }
0xbd: {  	s0 =	sor.u32 s1, s0  }
0xbe: {  	s0 =	sadd.s32 $0x8F2B, s0  }
0xbf: {  	[sflag:s0] =	ssyncadd.remote.s32 $0x1  }
0xc0: {  	_ =	sfence.sel $0xFFFF  }
0xc1: {  	[dreg:$0x0] =	wrdreg $0xFFFFFFFF;
	(pc) =	sbr.abs _section_cstart, $3  }
0xc2: {  	[dreg:$0x1] =	wrdreg $0xFFFFFFFF  }
0xc3: {  	_ =	task.clear_ibuf [dreg:s8], $0x2FFFF;
	_ =	strace $0x9FFFFFFF  }
0xc4: {  	(tm) =	ssettm $0x7FFFFFFF  }
0xc5: {  	_ =	shalt  }
tec
execute0_lowered:
.L_overlay_start_1:
0x0: {  	(tag) =	ssettag $0x1  }
0x1: {  	s0 =	rddreg [dreg:$0x0]  }
0x2: {  	s2 =	rddreg [dreg:$0x1]  }
0x3: {  	s1 =	rddreg [dreg:$0x2]  }
0x4: {  	s4 =	srdreg.scid;
	s5 =	stileid.u32  }
0x5: {  	s3 =	simm.s32 $0x0;
	s15 =	simm.s32 $0x400;
	s16 =	simm.s32 $0x1000  }
0x6: {  	s22 =	simm.s32 $0x3800;
	s23 =	simm.s32 $0x20000;
	s24 =	simm.s32 $0x4000  }
0x7: {  	s28 =	simm.s32 $0xA000;
	s29 =	simm.s32 $0x2;
	s30 =	simm.s32 $0x0  }
0x8: {  	s4 =	sand.u32 $0x1, s4;
	s5 =	sshll.u32 s5, $0x1;
	[smem:$0x7FF] =	sst s3  }
0x9: {  	s8 =	sadd.s32 $0x8000, s2;
	s9 =	sadd.s32 $0x10000, s2;
	s10 =	sadd.s32 $0x18000, s2  }
0xa: {  	s11 =	sadd.s32 $0x20000, s2;
	s12 =	sadd.s32 $0x28000, s2;
	s13 =	sadd.s32 $0x30000, s2  }
0xb: {  	s14 =	sadd.s32 $0x38000, s2;
	s5 =	sor.u32 s4, s5;
	_ =	strace $0x80000047  }
0xc: {  	s6 =	ssub.s32 $0x2, s4;
	s25 =	sshll.u32 s5, $0x9;
	s5 =	sshll.u32 s5, $0xA  }
0xd: {  	s7 =	sshrl.u32 s6, $0x1;
	s4 =	sadd.s32 s0, s25;
	s26 =	sadd.s32 s5, s1  }
0xe: {  	s31 =	ssub.s32 s6, s7;
	s25 =	simm.s32 $0x7000;
	s5 =	sadd.s32 $0xC000, s4  }
0xf: {  	s6 =	sadd.s32 $0x800, s26;
	s7 =	smax.u32 s31, $0x1;
	s26 =	simm.s32 $0x1  }
.LBB2_1:
0x10: {  	[tilespmem:s3], [sflag:$0x1] =	stream.strided.gather [hbm4b:s2+s15], $0x800, s16, s15, $0x38;
	[tilespmem:$0xC000] =	vst v63  }
0x11: {  	s0 =	simm.s32 $0x800  }
0x12: {  	[tilespmem:s0], [sflag:$0x1] =	stream.strided.gather [hbm4b:s8+s15], $0x800, s16, s15, $0x38;
	[tilespmem:$0xC000] =	vst v63  }
0x13: {  	_ = 	snop  }
0x14: {  	[tilespmem:s16], [sflag:$0x1] =	stream.strided.gather [hbm4b:s9+s15], $0x800, s16, s15, $0x38;
	[tilespmem:$0xC000] =	vst v63  }
0x15: {  	s17 =	simm.s32 $0x1800  }
0x16: {  	[tilespmem:s17], [sflag:$0x1] =	stream.strided.gather [hbm4b:s10+s15], $0x800, s16, s15, $0x38;
	[tilespmem:$0xC000] =	vst v63  }
0x17: {  	s18 =	simm.s32 $0x2000  }
0x18: {  	[tilespmem:s18], [sflag:$0x1] =	stream.strided.gather [hbm4b:s11+s15], $0x800, s16, s15, $0x38;
	[tilespmem:$0xC000] =	vst v63  }
0x19: {  	s19 =	simm.s32 $0x2800  }
0x1a: {  	[tilespmem:s19], [sflag:$0x1] =	stream.strided.gather [hbm4b:s12+s15], $0x800, s16, s15, $0x38;
	[tilespmem:$0xC000] =	vst v63  }
0x1b: {  	s20 =	simm.s32 $0x3000  }
0x1c: {  	[tilespmem:s20], [sflag:$0x1] =	stream.strided.gather [hbm4b:s13+s15], $0x800, s16, s15, $0x38;
	[tilespmem:$0xC000] =	vst v63  }
0x1d: {  	_ = 	snop  }
0x1e: {  	[tilespmem:s22], [sflag:$0x1] =	stream.strided.gather [hbm4b:s14+s15], $0x800, s16, s15, $0x38;
	[tilespmem:$0xC000] =	vst v63  }
0x1f: {  	_ = 	snop  }
0x20: {  	[tilespmem:s24], [sflag:$0x1] =	stream.strided.gather [hbm4b:s4+s16], $0x3000, s23, s16, $0x38;
	[tilespmem:$0xC000] =	vst v63  }
0x21: {  	_ = 	snop  }
0x22: {  	[tilespmem:s25], [sflag:$0x1] =	stream.strided.gather [hbm4b:s5+s16], $0x3000, s23, s16, $0x38;
	[tilespmem:$0xC000] =	vst v63  }
0x23: {  	_ =	swait.ge [sflag:s26], $0x4000  }
0x24: {  	[sflag:s26] =	ssyncset.done $0x0  }
0x25: {  	[sflag:s26] =	ssyncadd.s32 $0xFFFFC000  }
0x26: {  	_ =	swait.ge [sflag:s26], $0x3000  }
0x27: {  	[sflag:s26] =	ssyncset.done $0x0  }
0x28: {  	[sflag:s26] =	ssyncadd.s32 $0xFFFFD000  }
0x29: {  	s21 =	sand.u32 $0xC00, s3;
	s1 =	sand.u32 $0x380, s3;
	_ =	swait.ge [sflag:s26], $0x3000  }
0x2a: {  	s0 =	sor.u32 s1, s21;
	s17 =	sand.u32 $0x70, s3;
	[sflag:s26] =	ssyncset.done $0x0  }
0x2b: {  	s0 =	sor.u32 s17, s0;
	[sflag:s26] =	ssyncadd.s32 $0xFFFFD000  }
0x2c: {  	v0 =	vld [tilespmem:s0+$0x4000]  }
0x2d: {  	v1 =	vld [tilespmem:s0+$0x5000]  }
0x2e: {  	v2 =	vld [tilespmem:s0+$0x6000];
	_ =	sdelay $0x3  }
0x2f: {  	v0 =	vshll.u32 v0, $0xB;
	v1 =	vshll.u32 v1, $0x7  }
0x30: {  	v3 =	vand.u32 $0xFFFFFF80, v2;
	v0 =	vadd.s32 v0, v1  }
0x31: {  	v1 =	vand.u32 $0x7F, v2;
	v0 =	vadd.s32 v3, v0  }
0x32: {  	v0 =	vor.u32 v1, v0;
	_ =	sdelay $0x4  }
0x33: {  	v0 =	vld.idx.msk [tilespmem:v0+s3+$0x0], $0xffff;
	_ =	sdelay $0x1  }
0x34: {  	s31 =	simm.s32 $0x4;
	s1 =	simm.s32 $0x80;
	s17 =	simm.s32 $0x10  }
0x35: {  	s18 =	sand.u32 $0xC00, s1;
	s19 =	sand.u32 $0x70, s17;
	s0 =	sand.u32 $0x380, s31  }
0x36: {  	s20 =	sor.u32 s0, s18;
	s18 =	simm.s32 $0x8;
	s0 =	simm.s32 $0xA000  }
.LBB2_2:
0x37: {  	p0 =	sne.s32 s18, $0x3FC;
	s19 =	sor.u32 s19, s20;
	[tilespmem:s0+$0x0] =	vst v0  }
0x38: {  	v0 =	vld [tilespmem:s19+$0x4000]  }
0x39: {  	v1 =	vld [tilespmem:s19+$0x5000]  }
0x3a: {  	v2 =	vld [tilespmem:s19+$0x6000];
	_ =	sdelay $0x3  }
0x3b: {  	v0 =	vshll.u32 v0, $0xB;
	v1 =	vshll.u32 v1, $0x7  }
0x3c: {  	v3 =	vand.u32 $0xFFFFFF80, v2;
	v0 =	vadd.s32 v0, v1  }
0x3d: {  	v1 =	vand.u32 $0x7F, v2;
	v0 =	vadd.s32 v3, v0  }
0x3e: {  	v0 =	vor.u32 v1, v0;
	_ =	sdelay $0x3  }
0x3f: {  	s31 =	simm.s32 $0x0  }
0x40: {  	v0 =	vld.idx.msk [tilespmem:v0+s31+$0x0], $0xffff  }
.Ltmp0:
0x41: {  	(pc) =	sbr.rel @p0 .LBB2_2-.Ltmp0, $4  }
0x42: {  	_ = 	snop  }
0x43: {  	s1 =	sadd.s32 $0x80, s1;
	s0 =	sadd.s32 $0x10, s0  }
0x44: {  	s21 =	sand.u32 $0x380, s18;
	s17 =	sadd.s32 $0x10, s17;
	s20 =	sand.u32 $0xC00, s1  }
0x45: {  	s18 =	sadd.s32 $0x4, s18;
	s20 =	sor.u32 s21, s20;
	s19 =	sand.u32 $0x70, s17  }
0x46: {  	s1 =	sor.u32 s19, s20;
	[tilespmem:s0+$0x0] =	vst v0  }
0x47: {  	v0 =	vld [tilespmem:s1+$0x4000]  }
0x48: {  	v1 =	vld [tilespmem:s1+$0x5000]  }
0x49: {  	v2 =	vld [tilespmem:s1+$0x6000];
	_ =	sdelay $0x3  }
0x4a: {  	v0 =	vshll.u32 v0, $0xB;
	v1 =	vshll.u32 v1, $0x7  }
0x4b: {  	v3 =	vand.u32 $0xFFFFFF80, v2;
	v0 =	vadd.s32 v0, v1  }
0x4c: {  	v63 =	vand.u32 $0x7F, v2;
	v0 =	vadd.s32 v3, v0  }
0x4d: {  	v0 =	vor.u32 v63, v0;
	_ =	sdelay $0x4  }
0x4e: {  	p0 =	por $0x1, $0x1;
	v0 =	vld.idx.msk [tilespmem:v0+s31+$0x0], $0xffff  }
.Ltmp1:
0x4f: {  	_ = 	snop;
	(pc) =	sbr.rel @!p0 .LBB2_5-.Ltmp1, $4  }
0x50: {  	_ = 	snop  }
0x51: {  	s20 =	sand.u32 $0xC00, s31;
	s17 =	sand.u32 $0x380, s31;
	s18 =	sand.u32 $0x70, s31  }
0x52: {  	s21 =	sadd.s32 $0x10, s0;
	s0 =	simm.s32 $0x4;
	s1 =	sor.u32 s17, s20  }
0x53: {  	s17 =	simm.s32 $0x0;
	s18 =	sor.u32 s18, s1;
	s1 =	simm.s32 $0x0;
	[tilespmem:s21+$0x0] =	vst v0  }
.LBB2_4:
0x54: {  	p0 =	sne.s32 s0, $0x3FC;
	v0 =	vld [tilespmem:s18+$0x7000]  }
0x55: {  	v1 =	vld [tilespmem:s18+$0x8000]  }
0x56: {  	v2 =	vld [tilespmem:s18+$0x9000];
	_ =	sdelay $0x4  }
0x57: {  	v0 =	vshll.u32 v0, $0xB;
	v1 =	vshll.u32 v1, $0x8;
	v2 =	vshll.u32 v2, $0x1  }
0x58: {  	v0 =	vadd.s32 v0, v1;
	v3 =	vand.u32 $0xFFFFFF80, v2  }
0x59: {  	v1 =	vand.u32 $0x7E, v2;
	v0 =	vadd.s32 v3, v0  }
0x5a: {  	v0 =	vor.u32 v1, v0;
	_ =	sdelay $0x4  }
0x5b: {  	v0 =	vld.idx.msk [tilespmem:v0+s3+$0x0], $0xffff;
	_ =	sdelay $0x1  }
.Ltmp2:
0x5c: {  	(pc) =	sbr.rel @p0 .LBB2_4-.Ltmp2, $4  }
0x5d: {  	s1 =	sadd.s32 $0x80, s1  }
0x5e: {  	s19 =	sand.u32 $0x380, s0;
	s17 =	sadd.s32 $0x10, s17;
	s18 =	sand.u32 $0xC00, s1  }
0x5f: {  	s20 =	sand.u32 $0x70, s17;
	s18 =	sor.u32 s19, s18;
	s19 =	sand.u32 $0xFF0, s31  }
0x60: {  	s0 =	sadd.s32 $0x4, s0;
	s31 =	smov.u32 s17;
	s18 =	sor.u32 s20, s18;
	[tilespmem:s19+$0xB000] =	vst v0  }
.LBB2_5:
0x61: {  	v0 =	vld [tilespmem:s18+$0x7000]  }
0x62: {  	v1 =	vld [tilespmem:s18+$0x8000]  }
0x63: {  	v2 =	vld [tilespmem:s18+$0x9000];
	_ =	sdelay $0x4  }
0x64: {  	v2 =	vshll.u32 v2, $0x1;
	v0 =	vshll.u32 v0, $0xB;
	v1 =	vshll.u32 v1, $0x8  }
0x65: {  	v3 =	vand.u32 $0xFFFFFF80, v2;
	v0 =	vadd.s32 v0, v1  }
0x66: {  	v63 =	vand.u32 $0x7E, v2;
	v0 =	vadd.s32 v3, v0  }
0x67: {  	v0 =	vor.u32 v63, v0;
	_ =	sdelay $0x4  }
0x68: {  	v0 =	vld.idx.msk [tilespmem:v0+s3+$0x0], $0xffff;
	_ =	sdelay $0x2  }
0x69: {  	s30 =	sadd.s32 $0x1, s30  }
0x6a: {  	s0 =	sand.u32 $0xFF0, s31;
	p0 =	sne.s32 s30, s7  }
.Ltmp3:
0x6b: {  	[tilespmem:s0+$0xB000] =	vst v0;
	(pc) =	sbr.rel @p0 .LBB2_1-.Ltmp3, $4  }
0x6c: {  	[hbm4b:s6+s3] =	stream.linear.scatter [tilespmem:s28], [sflag:$0x2], $0x2000, $0x38;
	[tilespmem:$0xC000] =	vst v63  }
0x6d: {  	_ =	swait.ge [sflag:s29], $0x2000  }
0x6e: {  	[sflag:s29] =	ssyncset.done $0x0  }
0x6f: {  	[sflag:s29] =	ssyncadd.s32 $0xFFFFE000  }
0x70: {  	_ =	sfence.sel $0x180000  }
0x71: {  	[bflag:$0x0] =	sbarrier.arrive $0xFFFF  }
0x72: {  	_ =	strace $0x90000047  }
0x73: {  	s0 =	stileid.u32;
	[bflag:$0x2] =	sbarrier.arrive $0xFFFF  }
0x74: {  	p0 =	sne.s32 s0, $0x0;
	s0 =	rddreg [dreg:$0x3]  }
0x75: {  	s0 =	sadd.s32 @!p0 $0x100000, s0  }
0x76: {  	[sflag:s0] =	ssyncadd.tile.s32 @!p0 $0x1;
	_ =	shalt  }
.Lfunc_end2:
_tile_overlayer_lowered:
.L_overlay_start_2:
0x77: {  	(tag) =	ssettag $0x2  }
0x78: {  	s0 =	rddreg [dreg:$0x0];
	s2 =	stileid.u32  }
0x79: {  	s1 =	rddreg [dreg:$0x1];
	p0 =	sne.s32 s2, $0x0  }
0x7a: {  	s3 =	rddreg [dreg:$0x2];
	[bflag:$0x3] =	sbarrier.arrive $0xFFFF;
	s2 =	simm.s32 @!p0 $0x1C02  }
0x7b: {  	[timem:s3], [sflag:s2] =	dma.local @!p0 [hbm:s0], s1  }
0x7c: {  	s0 =	simm.s32 @!p0 $0x2  }
0x7d: {  	_ =	swait.ge @!p0 [sflag:s0], s1  }
0x7e: {  	s1 =	ssub.s32 @!p0 $0x0, s1;
	[sflag:s0] =	ssyncset.done @!p0 $0x0  }
0x7f: {  	[sflag:s0] =	ssyncadd.s32 @!p0 s1  }
0x80: {  	[bflag:$0x3] =	sbarrier.arrive $0xFFFF  }
0x81: {  	_ =	shalt  }

</sc_bundles>
